<compile_context>
chip_gen: v7x
topology: tpu7x:2x2x1
jax: 0.10.2.dev20260603
libtpu: 0.0.44.dev20260713+nightly
codegen_flags: <defaults>
</compile_context>

<pallas_src>
import functools

import jax
import jax.numpy as jnp
from jax import lax
from jax.experimental import pallas as pl
from jax.experimental.pallas import tpu as pltpu
from jax.experimental.pallas import tpu_sc as plsc

VOCAB = 901
D = 128
NC, NS = 2, 16
NW = NC * NS
CHUNK = 128


@functools.lru_cache(maxsize=None)
def _build(n_tokens: int, interpret: bool = False):
    assert n_tokens % (NW * CHUNK) == 0
    chunks_per_w = n_tokens // (NW * CHUNK)
    tok_per_w = chunks_per_w * CHUNK
    mesh = plsc.VectorSubcoreMesh(core_axis_name="c", subcore_axis_name="s")

    G = 2
    W = G * CHUNK
    n_sc = tok_per_w // W
    assert n_sc >= 4 and n_sc % 2 == 0 and chunks_per_w % G == 0

    @functools.partial(
        pl.kernel,
        out_type=jax.ShapeDtypeStruct((n_tokens, D), jnp.float32),
        mesh=mesh,
        scratch_types=[
            pltpu.VMEM_SHARED((VOCAB, D), jnp.float32),
            pltpu.VMEM((chunks_per_w, CHUNK), jnp.int32),
            pltpu.VMEM((W, D), jnp.float32),
            pltpu.VMEM((W, D), jnp.float32),
            pltpu.SemaphoreType.DMA,
            pltpu.SemaphoreType.DMA,
            pltpu.SemaphoreType.DMA,
            pltpu.SemaphoreType.DMA,
        ],
        interpret=interpret,
    )
    def emb_kernel(table_hbm, ids_hbm, out_hbm, table_sh, ids_v, rows0, rows1,
                   g0, g1, w0, w1):
        sid = lax.axis_index("s")
        wid = sid * NC + lax.axis_index("c")

        @pl.when(sid == 0)
        def _():
            pltpu.sync_copy(table_hbm, table_sh)

        pltpu.sync_copy(ids_hbm.at[wid], ids_v)
        plsc.subcore_barrier()

        base = wid * tok_per_w
        rows = (rows0, rows1)
        gsem = (g0, g1)
        wsem = (w0, w1)

        def start_gather(k, b):
            for u in range(G):
                pltpu.async_copy(table_sh.at[ids_v.at[k * G + u]],
                                 rows[b].at[pl.ds(u * CHUNK, CHUNK)], gsem[b])

        def wait_gather(k, b):
            for u in range(G):
                pltpu.make_async_copy(table_sh.at[ids_v.at[k * G + u]],
                                     rows[b].at[pl.ds(u * CHUNK, CHUNK)],
                                     gsem[b]).wait()

        def out_slice(k):
            return out_hbm.at[pl.ds(base + k * W, W)]

        def start_write(k, b):
            pltpu.async_copy(rows[b], out_slice(k), wsem[b])

        def wait_write(k, b):
            pltpu.make_async_copy(rows[b], out_slice(k), wsem[b]).wait()

        start_gather(0, 0)
        wait_gather(0, 0)
        start_write(0, 0)
        start_gather(1, 1)

        def body(g, carry):
            k1 = 1 + 2 * g
            wait_gather(k1, 1)
            start_write(k1, 1)
            wait_write(k1 - 1, 0)
            start_gather(k1 + 1, 0)
            k2 = k1 + 1
            wait_gather(k2, 0)
            start_write(k2, 0)
            wait_write(k2 - 1, 1)
            start_gather(k2 + 1, 1)
            return carry

        lax.fori_loop(0, (n_sc - 2) // 2, body, 0)

        last = n_sc - 1
        wait_gather(last, 1)
        start_write(last, 1)
        wait_write(last - 1, 0)
        wait_write(last, 1)

    return emb_kernel


def kernel(input_ids, special_embed, event_embed, time_embed, note_embed,
           velocity_embed, program_embed, local_embed, cc_num_embed,
           cc_val_embed, prog_val_embed, duration_embed, unknown_embed):
    table = jnp.concatenate([
        special_embed, event_embed, time_embed, note_embed, velocity_embed,
        program_embed, local_embed, cc_num_embed, cc_val_embed,
        prog_val_embed, duration_embed], axis=0)
    ids = input_ids.reshape(-1).astype(jnp.int32)
    n = ids.shape[0]
    ids3 = ids.reshape(NW, n // (NW * CHUNK), CHUNK)
    out = _build(n)(table, ids3)
    return out.reshape(input_ids.shape + (D,))

# --- scband reference (transcript-rebuilt; emitter-appended) ---
"""Pipeline reference for scband-custom-token-embedding-module-56676388438136 (READ-ONLY COPY).

The authoritative reference and input builder live on the scoring server;
editing this copy changes nothing except your own understanding.
"""

import jax, jax.numpy as jnp
import numpy as np

# Token layout (global index -> sub-table), matching the torch module's processor:
#   special:        [0, 3)     (PAD=0 is padding_idx -> zero row)
#   event_category: [3, 12)    (9 categories)
#   time_shift:     [12, 112)  (time_shift_steps=100)
#   note:           [112, 240) (note_range=128)
#   velocity:       [240, 272) (velocity_bins=32)
#   program:        [272, 401) (num_program_tokens=129)
#   local_instance: [401, 417) (max_local_instruments=16)
#   cc_num:         [417, 545) (cc_range=128)
#   cc_val:         [545, 673) (cc_range=128)
#   prog_val:       [673, 801) (program_range=128)
#   duration:       [801, 901) (duration_steps=100)
VOCAB = 901
B, S, D = 4096, 200, 128
SIZES = [3, 9, 100, 128, 32, 129, 16, 128, 128, 128, 100]


def setup_inputs(seed: int = 0) -> dict:
    key = jax.random.key(seed)
    ks = jax.random.split(key, 14)
    input_ids = jax.random.randint(ks[0], (B, S), 0, VOCAB, dtype=jnp.int64)
    names = ["special_embed", "event_embed", "time_embed", "note_embed",
             "velocity_embed", "program_embed", "local_embed", "cc_num_embed",
             "cc_val_embed", "prog_val_embed", "duration_embed"]
    inp = {"input_ids": input_ids}
    for i, (n, sz) in enumerate(zip(names, SIZES)):
        inp[n] = jax.random.normal(ks[i + 1], (sz, D), dtype=jnp.float32) * 0.02
    # padding_idx=0 on the special table -> zero row, like nn.Embedding(padding_idx=0)
    inp["special_embed"] = inp["special_embed"].at[0].set(0.0)
    inp["unknown_embed"] = jax.random.normal(ks[13], (D,), dtype=jnp.float32)
    return inp


def reference(input_ids, special_embed, event_embed, time_embed, note_embed,
              velocity_embed, program_embed, local_embed, cc_num_embed,
              cc_val_embed, prog_val_embed, duration_embed, unknown_embed):
    # Vectorized but math-identical rewrite of the per-token python loop:
    # each global index falls into exactly one sub-table range; the concatenated
    # table reproduces (global_idx -> type -> local_idx -> sub-table row).
    full = jnp.concatenate([
        special_embed, event_embed, time_embed, note_embed, velocity_embed,
        program_embed, local_embed, cc_num_embed, cc_val_embed,
        prog_val_embed, duration_embed], axis=0)  # [VOCAB, D]
    vocab = full.shape[0]
    safe = jnp.clip(input_ids, 0, vocab - 1)
    out = jnp.take(full, safe, axis=0)  # gather: [B, S, D]
    # UNKNOWN fallback for out-of-range ids (never triggered for in-range fills)
    unk = (input_ids < 0) | (input_ids >= vocab)
    out = jnp.where(unk[..., None], unknown_embed, out)
    return out

if __name__ == "__main__":
    import jax
    _d = setup_inputs()
    print(jax.jit(kernel)(*tuple(_d.values())))

</pallas_src>

<mosaic_0001>
#map = affine_map<(d0, d1) -> (0, 0)>
#map1 = affine_map<(d0, d1) -> (0, 0, 0)>
module attributes {stable_mosaic.version = 14 : i64} {
  func.func @emb_kernel(%arg0: i32, %arg1: i32, %arg2: memref<901x128xf32, #tpu.memory_space<hbm>>, %arg3: memref<32x200x128xi32, #tpu.memory_space<hbm>>, %arg4: memref<819200x128xf32, #tpu.memory_space<hbm>>, %arg5: memref<901x128xf32, #tpu.memory_space<vmem_shared>>, %arg6: memref<200x128xi32, #tpu.memory_space<vmem>>, %arg7: memref<256x128xf32, #tpu.memory_space<vmem>>, %arg8: memref<256x128xf32, #tpu.memory_space<vmem>>, %arg9: memref<!tpu.dma_semaphore, #tpu.memory_space<semaphore_mem>>, %arg10: memref<!tpu.dma_semaphore, #tpu.memory_space<semaphore_mem>>, %arg11: memref<!tpu.dma_semaphore, #tpu.memory_space<semaphore_mem>>, %arg12: memref<!tpu.dma_semaphore, #tpu.memory_space<semaphore_mem>>) attributes {dimension_semantics = [#tpu.dimension_semantics<core_parallel>, #tpu.dimension_semantics<subcore_parallel>], iteration_bounds = array<i64: 2, 16>, scalar_prefetch = 0 : i64, scratch_operands = 8 : i64, tpu.core_type = #tpu.core_type<sc_vector_subcore>, window_params = [{transform_indices = #map}, {transform_indices = #map1}, {transform_indices = #map}]} {
    %mul3A = arith.constant 2 : i32
    %mul3A_0 = arith.muli %arg1, %mul3A : i32
    %add3A = arith.addi %mul3A_0, %arg0 : i32
    %eq3A = arith.constant 0 : i32
    %eq3A_1 = arith.cmpi eq, %arg1, %eq3A : i32
    %convert_element_type3A = arith.extui %eq3A_1 : i1 to i32
    %cond3A = arith.constant 0 : i32
    %cond3A_2 = arith.cmpi ne, %convert_element_type3A, %cond3A : i32
    scf.if %cond3A_2 {
      "tpu.region"() ({
        %run_scoped3A = tpu.sem_alloc : memref<!tpu.dma_semaphore, #tpu.memory_space<semaphore_mem>>
        tpu.enqueue_dma source(%arg2 : memref<901x128xf32, #tpu.memory_space<hbm>>) target(%arg5 : memref<901x128xf32, #tpu.memory_space<vmem_shared>>) target_semaphore(%run_scoped3A : memref<!tpu.dma_semaphore, #tpu.memory_space<semaphore_mem>>)
        tpu.wait_dma2 semaphore(%run_scoped3A : memref<!tpu.dma_semaphore, #tpu.memory_space<semaphore_mem>>) src(%arg2 : memref<901x128xf32, #tpu.memory_space<hbm>>) dst(%arg5 : memref<901x128xf32, #tpu.memory_space<vmem_shared>>)
        tpu.yield
      }) : () -> ()
    } else {
    }
    "tpu.region"() ({
      %run_scoped3A = tpu.sem_alloc : memref<!tpu.dma_semaphore, #tpu.memory_space<semaphore_mem>>
      %dma_start3A_112 = arith.constant 0 : i32
      %dma_start3A_113 = arith.constant 0 : i32
      %dma_start3A_114 = tpu.memref_slice %arg3[%add3A, %dma_start3A_112, %dma_start3A_113] : memref<32x200x128xi32, #tpu.memory_space<hbm>> -> memref<1x200x128xi32, #tpu.memory_space<hbm>>
      %dma_start3A_115 = tpu.memref_squeeze %dma_start3A_114 : memref<1x200x128xi32, #tpu.memory_space<hbm>> -> memref<200x128xi32, #tpu.memory_space<hbm>>
      %dma_start3A_116 = arith.constant 0 : i32
      %dma_start3A_117 = arith.constant 0 : i32
      %dma_start3A_118 = tpu.memref_slice %arg3[%add3A, %dma_start3A_116, %dma_start3A_117] : memref<32x200x128xi32, #tpu.memory_space<hbm>> -> memref<1x200x128xi32, #tpu.memory_space<hbm>>
      %dma_start3A_119 = tpu.memref_squeeze %dma_start3A_118 : memref<1x200x128xi32, #tpu.memory_space<hbm>> -> memref<200x128xi32, #tpu.memory_space<hbm>>
      tpu.enqueue_dma source(%dma_start3A_119 : memref<200x128xi32, #tpu.memory_space<hbm>>) target(%arg6 : memref<200x128xi32, #tpu.memory_space<vmem>>) target_semaphore(%run_scoped3A : memref<!tpu.dma_semaphore, #tpu.memory_space<semaphore_mem>>)
      %dma_wait3A_120 = arith.constant 0 : i32
      %dma_wait3A_121 = arith.constant 0 : i32
      %dma_wait3A_122 = tpu.memref_slice %arg3[%add3A, %dma_wait3A_120, %dma_wait3A_121] : memref<32x200x128xi32, #tpu.memory_space<hbm>> -> memref<1x200x128xi32, #tpu.memory_space<hbm>>
      %dma_wait3A_123 = tpu.memref_squeeze %dma_wait3A_122 : memref<1x200x128xi32, #tpu.memory_space<hbm>> -> memref<200x128xi32, #tpu.memory_space<hbm>>
      %dma_wait3A_124 = arith.constant 0 : i32
      %dma_wait3A_125 = arith.constant 0 : i32
      %dma_wait3A_126 = tpu.memref_slice %arg3[%add3A, %dma_wait3A_124, %dma_wait3A_125] : memref<32x200x128xi32, #tpu.memory_space<hbm>> -> memref<1x200x128xi32, #tpu.memory_space<hbm>>
      %dma_wait3A_127 = tpu.memref_squeeze %dma_wait3A_126 : memref<1x200x128xi32, #tpu.memory_space<hbm>> -> memref<200x128xi32, #tpu.memory_space<hbm>>
      tpu.wait_dma2 semaphore(%run_scoped3A : memref<!tpu.dma_semaphore, #tpu.memory_space<semaphore_mem>>) src(%dma_wait3A_127 : memref<200x128xi32, #tpu.memory_space<hbm>>) dst(%arg6 : memref<200x128xi32, #tpu.memory_space<vmem>>)
      tpu.yield
    }) : () -> ()
    %barrier3A = arith.constant 0 : index
    tpu.barrier barrier_id(%barrier3A)
    %mul3A_3 = arith.constant 25600 : i32
    %mul3A_4 = arith.muli %add3A, %mul3A_3 : i32
    %dma_start3A = arith.constant 0 : i32
    %dma_start3A_5 = arith.constant 0 : i32
    %dma_start3A_6 = arith.constant 0 : i32
    %dma_start3A_7 = tpu.memref_slice %arg7[%dma_start3A_5, %dma_start3A_6] : memref<256x128xf32, #tpu.memory_space<vmem>> -> memref<128x128xf32, #tpu.memory_space<vmem>>
    %dma_start3A_8 = arith.constant 0 : i32
    %dma_start3A_9 = tpu.memref_slice %arg6[%dma_start3A, %dma_start3A_8] : memref<200x128xi32, #tpu.memory_space<vmem>> -> memref<1x128xi32, #tpu.memory_space<vmem>>
    %dma_start3A_10 = tpu.memref_squeeze %dma_start3A_9 : memref<1x128xi32, #tpu.memory_space<vmem>> -> memref<128xi32, #tpu.memory_space<vmem>>
    %dma_start3A_11 = arith.constant 0 : i32
    %dma_start3A_12 = arith.constant 0 : i32
    %dma_start3A_13 = tpu.memref_slice %arg5[%dma_start3A_11, %dma_start3A_12] : memref<901x128xf32, #tpu.memory_space<vmem_shared>> -> memref<901x128xf32, #tpu.memory_space<vmem_shared>>
    tpu.enqueue_indirect_dma source(%dma_start3A_13 : memref<901x128xf32, #tpu.memory_space<vmem_shared>>) target(%dma_start3A_7 : memref<128x128xf32, #tpu.memory_space<vmem>>) offsets(%dma_start3A_10 : memref<128xi32, #tpu.memory_space<vmem>>) semaphore(%arg9 : memref<!tpu.dma_semaphore, #tpu.memory_space<semaphore_mem>>)
    %dma_start3A_14 = arith.constant 1 : i32
    %dma_start3A_15 = arith.constant 128 : i32
    %dma_start3A_16 = arith.constant 0 : i32
    %dma_start3A_17 = tpu.memref_slice %arg7[%dma_start3A_15, %dma_start3A_16] : memref<256x128xf32, #tpu.memory_space<vmem>> -> memref<128x128xf32, #tpu.memory_space<vmem>>
    %dma_start3A_18 = arith.constant 0 : i32
    %dma_start3A_19 = tpu.memref_slice %arg6[%dma_start3A_14, %dma_start3A_18] : memref<200x128xi32, #tpu.memory_space<vmem>> -> memref<1x128xi32, #tpu.memory_space<vmem>>
    %dma_start3A_20 = tpu.memref_squeeze %dma_start3A_19 : memref<1x128xi32, #tpu.memory_space<vmem>> -> memref<128xi32, #tpu.memory_space<vmem>>
    %dma_start3A_21 = arith.constant 0 : i32
    %dma_start3A_22 = arith.constant 0 : i32
    %dma_start3A_23 = tpu.memref_slice %arg5[%dma_start3A_21, %dma_start3A_22] : memref<901x128xf32, #tpu.memory_space<vmem_shared>> -> memref<901x128xf32, #tpu.memory_space<vmem_shared>>
    tpu.enqueue_indirect_dma source(%dma_start3A_23 : memref<901x128xf32, #tpu.memory_space<vmem_shared>>) target(%dma_start3A_17 : memref<128x128xf32, #tpu.memory_space<vmem>>) offsets(%dma_start3A_20 : memref<128xi32, #tpu.memory_space<vmem>>) semaphore(%arg9 : memref<!tpu.dma_semaphore, #tpu.memory_space<semaphore_mem>>)
    %dma_wait3A = arith.constant 0 : i32
    %dma_wait3A_24 = arith.constant 0 : i32
    %dma_wait3A_25 = arith.constant 0 : i32
    %dma_wait3A_26 = tpu.memref_slice %arg7[%dma_wait3A_24, %dma_wait3A_25] : memref<256x128xf32, #tpu.memory_space<vmem>> -> memref<128x128xf32, #tpu.memory_space<vmem>>
    %dma_wait3A_27 = arith.constant 0 : i32
    %dma_wait3A_28 = tpu.memref_slice %arg6[%dma_wait3A, %dma_wait3A_27] : memref<200x128xi32, #tpu.memory_space<vmem>> -> memref<1x128xi32, #tpu.memory_space<vmem>>
    %dma_wait3A_29 = tpu.memref_squeeze %dma_wait3A_28 : memref<1x128xi32, #tpu.memory_space<vmem>> -> memref<128xi32, #tpu.memory_space<vmem>>
    %dma_wait3A_30 = arith.constant 0 : i32
    %dma_wait3A_31 = arith.constant 0 : i32
    %dma_wait3A_32 = tpu.memref_slice %arg5[%dma_wait3A_30, %dma_wait3A_31] : memref<901x128xf32, #tpu.memory_space<vmem_shared>> -> memref<901x128xf32, #tpu.memory_space<vmem_shared>>
    tpu.wait_indirect_dma semaphore(%arg9 : memref<!tpu.dma_semaphore, #tpu.memory_space<semaphore_mem>>) src(%dma_wait3A_32 : memref<901x128xf32, #tpu.memory_space<vmem_shared>>) dst(%dma_wait3A_26 : memref<128x128xf32, #tpu.memory_space<vmem>>)
    %dma_wait3A_33 = arith.constant 1 : i32
    %dma_wait3A_34 = arith.constant 128 : i32
    %dma_wait3A_35 = arith.constant 0 : i32
    %dma_wait3A_36 = tpu.memref_slice %arg7[%dma_wait3A_34, %dma_wait3A_35] : memref<256x128xf32, #tpu.memory_space<vmem>> -> memref<128x128xf32, #tpu.memory_space<vmem>>
    %dma_wait3A_37 = arith.constant 0 : i32
    %dma_wait3A_38 = tpu.memref_slice %arg6[%dma_wait3A_33, %dma_wait3A_37] : memref<200x128xi32, #tpu.memory_space<vmem>> -> memref<1x128xi32, #tpu.memory_space<vmem>>
    %dma_wait3A_39 = tpu.memref_squeeze %dma_wait3A_38 : memref<1x128xi32, #tpu.memory_space<vmem>> -> memref<128xi32, #tpu.memory_space<vmem>>
    %dma_wait3A_40 = arith.constant 0 : i32
    %dma_wait3A_41 = arith.constant 0 : i32
    %dma_wait3A_42 = tpu.memref_slice %arg5[%dma_wait3A_40, %dma_wait3A_41] : memref<901x128xf32, #tpu.memory_space<vmem_shared>> -> memref<901x128xf32, #tpu.memory_space<vmem_shared>>
    tpu.wait_indirect_dma semaphore(%arg9 : memref<!tpu.dma_semaphore, #tpu.memory_space<semaphore_mem>>) src(%dma_wait3A_42 : memref<901x128xf32, #tpu.memory_space<vmem_shared>>) dst(%dma_wait3A_36 : memref<128x128xf32, #tpu.memory_space<vmem>>)
    %add3A_43 = arith.constant 0 : i32
    %add3A_44 = arith.addi %mul3A_4, %add3A_43 : i32
    %dma_start3A_45 = arith.constant 0 : i32
    %dma_start3A_46 = tpu.memref_slice %arg4[%add3A_44, %dma_start3A_45] : memref<819200x128xf32, #tpu.memory_space<hbm>> -> memref<256x128xf32, #tpu.memory_space<hbm>>
    %dma_start3A_47 = arith.constant 0 : i32
    %dma_start3A_48 = tpu.memref_slice %arg4[%add3A_44, %dma_start3A_47] : memref<819200x128xf32, #tpu.memory_space<hbm>> -> memref<256x128xf32, #tpu.memory_space<hbm>>
    tpu.enqueue_dma source(%arg7 : memref<256x128xf32, #tpu.memory_space<vmem>>) target(%dma_start3A_48 : memref<256x128xf32, #tpu.memory_space<hbm>>) target_semaphore(%arg11 : memref<!tpu.dma_semaphore, #tpu.memory_space<semaphore_mem>>)
    %dma_start3A_49 = arith.constant 2 : i32
    %dma_start3A_50 = arith.constant 0 : i32
    %dma_start3A_51 = arith.constant 0 : i32
    %dma_start3A_52 = tpu.memref_slice %arg8[%dma_start3A_50, %dma_start3A_51] : memref<256x128xf32, #tpu.memory_space<vmem>> -> memref<128x128xf32, #tpu.memory_space<vmem>>
    %dma_start3A_53 = arith.constant 0 : i32
    %dma_start3A_54 = tpu.memref_slice %arg6[%dma_start3A_49, %dma_start3A_53] : memref<200x128xi32, #tpu.memory_space<vmem>> -> memref<1x128xi32, #tpu.memory_space<vmem>>
    %dma_start3A_55 = tpu.memref_squeeze %dma_start3A_54 : memref<1x128xi32, #tpu.memory_space<vmem>> -> memref<128xi32, #tpu.memory_space<vmem>>
    %dma_start3A_56 = arith.constant 0 : i32
    %dma_start3A_57 = arith.constant 0 : i32
    %dma_start3A_58 = tpu.memref_slice %arg5[%dma_start3A_56, %dma_start3A_57] : memref<901x128xf32, #tpu.memory_space<vmem_shared>> -> memref<901x128xf32, #tpu.memory_space<vmem_shared>>
    tpu.enqueue_indirect_dma source(%dma_start3A_58 : memref<901x128xf32, #tpu.memory_space<vmem_shared>>) target(%dma_start3A_52 : memref<128x128xf32, #tpu.memory_space<vmem>>) offsets(%dma_start3A_55 : memref<128xi32, #tpu.memory_space<vmem>>) semaphore(%arg10 : memref<!tpu.dma_semaphore, #tpu.memory_space<semaphore_mem>>)
    %dma_start3A_59 = arith.constant 3 : i32
    %dma_start3A_60 = arith.constant 128 : i32
    %dma_start3A_61 = arith.constant 0 : i32
    %dma_start3A_62 = tpu.memref_slice %arg8[%dma_start3A_60, %dma_start3A_61] : memref<256x128xf32, #tpu.memory_space<vmem>> -> memref<128x128xf32, #tpu.memory_space<vmem>>
    %dma_start3A_63 = arith.constant 0 : i32
    %dma_start3A_64 = tpu.memref_slice %arg6[%dma_start3A_59, %dma_start3A_63] : memref<200x128xi32, #tpu.memory_space<vmem>> -> memref<1x128xi32, #tpu.memory_space<vmem>>
    %dma_start3A_65 = tpu.memref_squeeze %dma_start3A_64 : memref<1x128xi32, #tpu.memory_space<vmem>> -> memref<128xi32, #tpu.memory_space<vmem>>
    %dma_start3A_66 = arith.constant 0 : i32
    %dma_start3A_67 = arith.constant 0 : i32
    %dma_start3A_68 = tpu.memref_slice %arg5[%dma_start3A_66, %dma_start3A_67] : memref<901x128xf32, #tpu.memory_space<vmem_shared>> -> memref<901x128xf32, #tpu.memory_space<vmem_shared>>
    tpu.enqueue_indirect_dma source(%dma_start3A_68 : memref<901x128xf32, #tpu.memory_space<vmem_shared>>) target(%dma_start3A_62 : memref<128x128xf32, #tpu.memory_space<vmem>>) offsets(%dma_start3A_65 : memref<128xi32, #tpu.memory_space<vmem>>) semaphore(%arg10 : memref<!tpu.dma_semaphore, #tpu.memory_space<semaphore_mem>>)
    %scan3A = arith.constant 0 : i32
    %scan3A_69 = arith.constant 0 : i32
    %scan3A_70 = arith.constant 49 : i32
    %scan3A_71 = arith.addi %scan3A_69, %scan3A_70 : i32
    %scan3A_72 = arith.constant 1 : i32
    scf.for %scan3A_112 = %scan3A_69 to %scan3A_71 step %scan3A_72  : i32 {
      %mul3A_113 = arith.constant 2 : i32
      %mul3A_114 = arith.muli %mul3A_113, %scan3A_112 : i32
      %add3A_115 = arith.constant 1 : i32
      %add3A_116 = arith.addi %add3A_115, %mul3A_114 : i32
      %mul3A_117 = arith.constant 2 : i32
      %mul3A_118 = arith.muli %add3A_116, %mul3A_117 : i32
      %add3A_119 = arith.constant 0 : i32
      %add3A_120 = arith.addi %mul3A_118, %add3A_119 : i32
      %dma_wait3A_121 = arith.constant 0 : i32
      %dma_wait3A_122 = arith.constant 0 : i32
      %dma_wait3A_123 = tpu.memref_slice %arg8[%dma_wait3A_121, %dma_wait3A_122] : memref<256x128xf32, #tpu.memory_space<vmem>> -> memref<128x128xf32, #tpu.memory_space<vmem>>
      %dma_wait3A_124 = arith.constant 0 : i32
      %dma_wait3A_125 = tpu.memref_slice %arg6[%add3A_120, %dma_wait3A_124] : memref<200x128xi32, #tpu.memory_space<vmem>> -> memref<1x128xi32, #tpu.memory_space<vmem>>
      %dma_wait3A_126 = tpu.memref_squeeze %dma_wait3A_125 : memref<1x128xi32, #tpu.memory_space<vmem>> -> memref<128xi32, #tpu.memory_space<vmem>>
      %dma_wait3A_127 = arith.constant 0 : i32
      %dma_wait3A_128 = arith.constant 0 : i32
      %dma_wait3A_129 = tpu.memref_slice %arg5[%dma_wait3A_127, %dma_wait3A_128] : memref<901x128xf32, #tpu.memory_space<vmem_shared>> -> memref<901x128xf32, #tpu.memory_space<vmem_shared>>
      tpu.wait_indirect_dma semaphore(%arg10 : memref<!tpu.dma_semaphore, #tpu.memory_space<semaphore_mem>>) src(%dma_wait3A_129 : memref<901x128xf32, #tpu.memory_space<vmem_shared>>) dst(%dma_wait3A_123 : memref<128x128xf32, #tpu.memory_space<vmem>>)
      %mul3A_130 = arith.constant 2 : i32
      %mul3A_131 = arith.muli %add3A_116, %mul3A_130 : i32
      %add3A_132 = arith.constant 1 : i32
      %add3A_133 = arith.addi %mul3A_131, %add3A_132 : i32
      %dma_wait3A_134 = arith.constant 128 : i32
      %dma_wait3A_135 = arith.constant 0 : i32
      %dma_wait3A_136 = tpu.memref_slice %arg8[%dma_wait3A_134, %dma_wait3A_135] : memref<256x128xf32, #tpu.memory_space<vmem>> -> memref<128x128xf32, #tpu.memory_space<vmem>>
      %dma_wait3A_137 = arith.constant 0 : i32
      %dma_wait3A_138 = tpu.memref_slice %arg6[%add3A_133, %dma_wait3A_137] : memref<200x128xi32, #tpu.memory_space<vmem>> -> memref<1x128xi32, #tpu.memory_space<vmem>>
      %dma_wait3A_139 = tpu.memref_squeeze %dma_wait3A_138 : memref<1x128xi32, #tpu.memory_space<vmem>> -> memref<128xi32, #tpu.memory_space<vmem>>
      %dma_wait3A_140 = arith.constant 0 : i32
      %dma_wait3A_141 = arith.constant 0 : i32
      %dma_wait3A_142 = tpu.memref_slice %arg5[%dma_wait3A_140, %dma_wait3A_141] : memref<901x128xf32, #tpu.memory_space<vmem_shared>> -> memref<901x128xf32, #tpu.memory_space<vmem_shared>>
      tpu.wait_indirect_dma semaphore(%arg10 : memref<!tpu.dma_semaphore, #tpu.memory_space<semaphore_mem>>) src(%dma_wait3A_142 : memref<901x128xf32, #tpu.memory_space<vmem_shared>>) dst(%dma_wait3A_136 : memref<128x128xf32, #tpu.memory_space<vmem>>)
      %mul3A_143 = arith.constant 256 : i32
      %mul3A_144 = arith.muli %add3A_116, %mul3A_143 : i32
      %add3A_145 = arith.addi %mul3A_4, %mul3A_144 : i32
      %dma_start3A_146 = arith.constant 0 : i32
      %dma_start3A_147 = tpu.memref_slice %arg4[%add3A_145, %dma_start3A_146] : memref<819200x128xf32, #tpu.memory_space<hbm>> -> memref<256x128xf32, #tpu.memory_space<hbm>>
      %dma_start3A_148 = arith.constant 0 : i32
      %dma_start3A_149 = tpu.memref_slice %arg4[%add3A_145, %dma_start3A_148] : memref<819200x128xf32, #tpu.memory_space<hbm>> -> memref<256x128xf32, #tpu.memory_space<hbm>>
      tpu.enqueue_dma source(%arg8 : memref<256x128xf32, #tpu.memory_space<vmem>>) target(%dma_start3A_149 : memref<256x128xf32, #tpu.memory_space<hbm>>) target_semaphore(%arg12 : memref<!tpu.dma_semaphore, #tpu.memory_space<semaphore_mem>>)
      %sub3A = arith.constant 1 : i32
      %sub3A_150 = arith.subi %add3A_116, %sub3A : i32
      %mul3A_151 = arith.constant 256 : i32
      %mul3A_152 = arith.muli %sub3A_150, %mul3A_151 : i32
      %add3A_153 = arith.addi %mul3A_4, %mul3A_152 : i32
      %dma_wait3A_154 = arith.constant 0 : i32
      %dma_wait3A_155 = tpu.memref_slice %arg4[%add3A_153, %dma_wait3A_154] : memref<819200x128xf32, #tpu.memory_space<hbm>> -> memref<256x128xf32, #tpu.memory_space<hbm>>
      %dma_wait3A_156 = arith.constant 0 : i32
      %dma_wait3A_157 = tpu.memref_slice %arg4[%add3A_153, %dma_wait3A_156] : memref<819200x128xf32, #tpu.memory_space<hbm>> -> memref<256x128xf32, #tpu.memory_space<hbm>>
      tpu.wait_dma2 semaphore(%arg11 : memref<!tpu.dma_semaphore, #tpu.memory_space<semaphore_mem>>) src(%arg7 : memref<256x128xf32, #tpu.memory_space<vmem>>) dst(%dma_wait3A_157 : memref<256x128xf32, #tpu.memory_space<hbm>>)
      %add3A_158 = arith.constant 1 : i32
      %add3A_159 = arith.addi %add3A_116, %add3A_158 : i32
      %mul3A_160 = arith.constant 2 : i32
      %mul3A_161 = arith.muli %add3A_159, %mul3A_160 : i32
      %add3A_162 = arith.constant 0 : i32
      %add3A_163 = arith.addi %mul3A_161, %add3A_162 : i32
      %dma_start3A_164 = arith.constant 0 : i32
      %dma_start3A_165 = arith.constant 0 : i32
      %dma_start3A_166 = tpu.memref_slice %arg7[%dma_start3A_164, %dma_start3A_165] : memref<256x128xf32, #tpu.memory_space<vmem>> -> memref<128x128xf32, #tpu.memory_space<vmem>>
      %dma_start3A_167 = arith.constant 0 : i32
      %dma_start3A_168 = tpu.memref_slice %arg6[%add3A_163, %dma_start3A_167] : memref<200x128xi32, #tpu.memory_space<vmem>> -> memref<1x128xi32, #tpu.memory_space<vmem>>
      %dma_start3A_169 = tpu.memref_squeeze %dma_start3A_168 : memref<1x128xi32, #tpu.memory_space<vmem>> -> memref<128xi32, #tpu.memory_space<vmem>>
      %dma_start3A_170 = arith.constant 0 : i32
      %dma_start3A_171 = arith.constant 0 : i32
      %dma_start3A_172 = tpu.memref_slice %arg5[%dma_start3A_170, %dma_start3A_171] : memref<901x128xf32, #tpu.memory_space<vmem_shared>> -> memref<901x128xf32, #tpu.memory_space<vmem_shared>>
      tpu.enqueue_indirect_dma source(%dma_start3A_172 : memref<901x128xf32, #tpu.memory_space<vmem_shared>>) target(%dma_start3A_166 : memref<128x128xf32, #tpu.memory_space<vmem>>) offsets(%dma_start3A_169 : memref<128xi32, #tpu.memory_space<vmem>>) semaphore(%arg9 : memref<!tpu.dma_semaphore, #tpu.memory_space<semaphore_mem>>)
      %mul3A_173 = arith.constant 2 : i32
      %mul3A_174 = arith.muli %add3A_159, %mul3A_173 : i32
      %add3A_175 = arith.constant 1 : i32
      %add3A_176 = arith.addi %mul3A_174, %add3A_175 : i32
      %dma_start3A_177 = arith.constant 128 : i32
      %dma_start3A_178 = arith.constant 0 : i32
      %dma_start3A_179 = tpu.memref_slice %arg7[%dma_start3A_177, %dma_start3A_178] : memref<256x128xf32, #tpu.memory_space<vmem>> -> memref<128x128xf32, #tpu.memory_space<vmem>>
      %dma_start3A_180 = arith.constant 0 : i32
      %dma_start3A_181 = tpu.memref_slice %arg6[%add3A_176, %dma_start3A_180] : memref<200x128xi32, #tpu.memory_space<vmem>> -> memref<1x128xi32, #tpu.memory_space<vmem>>
      %dma_start3A_182 = tpu.memref_squeeze %dma_start3A_181 : memref<1x128xi32, #tpu.memory_space<vmem>> -> memref<128xi32, #tpu.memory_space<vmem>>
      %dma_start3A_183 = arith.constant 0 : i32
      %dma_start3A_184 = arith.constant 0 : i32
      %dma_start3A_185 = tpu.memref_slice %arg5[%dma_start3A_183, %dma_start3A_184] : memref<901x128xf32, #tpu.memory_space<vmem_shared>> -> memref<901x128xf32, #tpu.memory_space<vmem_shared>>
      tpu.enqueue_indirect_dma source(%dma_start3A_185 : memref<901x128xf32, #tpu.memory_space<vmem_shared>>) target(%dma_start3A_179 : memref<128x128xf32, #tpu.memory_space<vmem>>) offsets(%dma_start3A_182 : memref<128xi32, #tpu.memory_space<vmem>>) semaphore(%arg9 : memref<!tpu.dma_semaphore, #tpu.memory_space<semaphore_mem>>)
      %add3A_186 = arith.constant 1 : i32
      %add3A_187 = arith.addi %add3A_116, %add3A_186 : i32
      %mul3A_188 = arith.constant 2 : i32
      %mul3A_189 = arith.muli %add3A_187, %mul3A_188 : i32
      %add3A_190 = arith.constant 0 : i32
      %add3A_191 = arith.addi %mul3A_189, %add3A_190 : i32
      %dma_wait3A_192 = arith.constant 0 : i32
      %dma_wait3A_193 = arith.constant 0 : i32
      %dma_wait3A_194 = tpu.memref_slice %arg7[%dma_wait3A_192, %dma_wait3A_193] : memref<256x128xf32, #tpu.memory_space<vmem>> -> memref<128x128xf32, #tpu.memory_space<vmem>>
      %dma_wait3A_195 = arith.constant 0 : i32
      %dma_wait3A_196 = tpu.memref_slice %arg6[%add3A_191, %dma_wait3A_195] : memref<200x128xi32, #tpu.memory_space<vmem>> -> memref<1x128xi32, #tpu.memory_space<vmem>>
      %dma_wait3A_197 = tpu.memref_squeeze %dma_wait3A_196 : memref<1x128xi32, #tpu.memory_space<vmem>> -> memref<128xi32, #tpu.memory_space<vmem>>
      %dma_wait3A_198 = arith.constant 0 : i32
      %dma_wait3A_199 = arith.constant 0 : i32
      %dma_wait3A_200 = tpu.memref_slice %arg5[%dma_wait3A_198, %dma_wait3A_199] : memref<901x128xf32, #tpu.memory_space<vmem_shared>> -> memref<901x128xf32, #tpu.memory_space<vmem_shared>>
      tpu.wait_indirect_dma semaphore(%arg9 : memref<!tpu.dma_semaphore, #tpu.memory_space<semaphore_mem>>) src(%dma_wait3A_200 : memref<901x128xf32, #tpu.memory_space<vmem_shared>>) dst(%dma_wait3A_194 : memref<128x128xf32, #tpu.memory_space<vmem>>)
      %mul3A_201 = arith.constant 2 : i32
      %mul3A_202 = arith.muli %add3A_187, %mul3A_201 : i32
      %add3A_203 = arith.constant 1 : i32
      %add3A_204 = arith.addi %mul3A_202, %add3A_203 : i32
      %dma_wait3A_205 = arith.constant 128 : i32
      %dma_wait3A_206 = arith.constant 0 : i32
      %dma_wait3A_207 = tpu.memref_slice %arg7[%dma_wait3A_205, %dma_wait3A_206] : memref<256x128xf32, #tpu.memory_space<vmem>> -> memref<128x128xf32, #tpu.memory_space<vmem>>
      %dma_wait3A_208 = arith.constant 0 : i32
      %dma_wait3A_209 = tpu.memref_slice %arg6[%add3A_204, %dma_wait3A_208] : memref<200x128xi32, #tpu.memory_space<vmem>> -> memref<1x128xi32, #tpu.memory_space<vmem>>
      %dma_wait3A_210 = tpu.memref_squeeze %dma_wait3A_209 : memref<1x128xi32, #tpu.memory_space<vmem>> -> memref<128xi32, #tpu.memory_space<vmem>>
      %dma_wait3A_211 = arith.constant 0 : i32
      %dma_wait3A_212 = arith.constant 0 : i32
      %dma_wait3A_213 = tpu.memref_slice %arg5[%dma_wait3A_211, %dma_wait3A_212] : memref<901x128xf32, #tpu.memory_space<vmem_shared>> -> memref<901x128xf32, #tpu.memory_space<vmem_shared>>
      tpu.wait_indirect_dma semaphore(%arg9 : memref<!tpu.dma_semaphore, #tpu.memory_space<semaphore_mem>>) src(%dma_wait3A_213 : memref<901x128xf32, #tpu.memory_space<vmem_shared>>) dst(%dma_wait3A_207 : memref<128x128xf32, #tpu.memory_space<vmem>>)
      %mul3A_214 = arith.constant 256 : i32
      %mul3A_215 = arith.muli %add3A_187, %mul3A_214 : i32
      %add3A_216 = arith.addi %mul3A_4, %mul3A_215 : i32
      %dma_start3A_217 = arith.constant 0 : i32
      %dma_start3A_218 = tpu.memref_slice %arg4[%add3A_216, %dma_start3A_217] : memref<819200x128xf32, #tpu.memory_space<hbm>> -> memref<256x128xf32, #tpu.memory_space<hbm>>
      %dma_start3A_219 = arith.constant 0 : i32
      %dma_start3A_220 = tpu.memref_slice %arg4[%add3A_216, %dma_start3A_219] : memref<819200x128xf32, #tpu.memory_space<hbm>> -> memref<256x128xf32, #tpu.memory_space<hbm>>
      tpu.enqueue_dma source(%arg7 : memref<256x128xf32, #tpu.memory_space<vmem>>) target(%dma_start3A_220 : memref<256x128xf32, #tpu.memory_space<hbm>>) target_semaphore(%arg11 : memref<!tpu.dma_semaphore, #tpu.memory_space<semaphore_mem>>)
      %sub3A_221 = arith.constant 1 : i32
      %sub3A_222 = arith.subi %add3A_187, %sub3A_221 : i32
      %mul3A_223 = arith.constant 256 : i32
      %mul3A_224 = arith.muli %sub3A_222, %mul3A_223 : i32
      %add3A_225 = arith.addi %mul3A_4, %mul3A_224 : i32
      %dma_wait3A_226 = arith.constant 0 : i32
      %dma_wait3A_227 = tpu.memref_slice %arg4[%add3A_225, %dma_wait3A_226] : memref<819200x128xf32, #tpu.memory_space<hbm>> -> memref<256x128xf32, #tpu.memory_space<hbm>>
      %dma_wait3A_228 = arith.constant 0 : i32
      %dma_wait3A_229 = tpu.memref_slice %arg4[%add3A_225, %dma_wait3A_228] : memref<819200x128xf32, #tpu.memory_space<hbm>> -> memref<256x128xf32, #tpu.memory_space<hbm>>
      tpu.wait_dma2 semaphore(%arg12 : memref<!tpu.dma_semaphore, #tpu.memory_space<semaphore_mem>>) src(%arg8 : memref<256x128xf32, #tpu.memory_space<vmem>>) dst(%dma_wait3A_229 : memref<256x128xf32, #tpu.memory_space<hbm>>)
      %add3A_230 = arith.constant 1 : i32
      %add3A_231 = arith.addi %add3A_187, %add3A_230 : i32
      %mul3A_232 = arith.constant 2 : i32
      %mul3A_233 = arith.muli %add3A_231, %mul3A_232 : i32
      %add3A_234 = arith.constant 0 : i32
      %add3A_235 = arith.addi %mul3A_233, %add3A_234 : i32
      %dma_start3A_236 = arith.constant 0 : i32
      %dma_start3A_237 = arith.constant 0 : i32
      %dma_start3A_238 = tpu.memref_slice %arg8[%dma_start3A_236, %dma_start3A_237] : memref<256x128xf32, #tpu.memory_space<vmem>> -> memref<128x128xf32, #tpu.memory_space<vmem>>
      %dma_start3A_239 = arith.constant 0 : i32
      %dma_start3A_240 = tpu.memref_slice %arg6[%add3A_235, %dma_start3A_239] : memref<200x128xi32, #tpu.memory_space<vmem>> -> memref<1x128xi32, #tpu.memory_space<vmem>>
      %dma_start3A_241 = tpu.memref_squeeze %dma_start3A_240 : memref<1x128xi32, #tpu.memory_space<vmem>> -> memref<128xi32, #tpu.memory_space<vmem>>
      %dma_start3A_242 = arith.constant 0 : i32
      %dma_start3A_243 = arith.constant 0 : i32
      %dma_start3A_244 = tpu.memref_slice %arg5[%dma_start3A_242, %dma_start3A_243] : memref<901x128xf32, #tpu.memory_space<vmem_shared>> -> memref<901x128xf32, #tpu.memory_space<vmem_shared>>
      tpu.enqueue_indirect_dma source(%dma_start3A_244 : memref<901x128xf32, #tpu.memory_space<vmem_shared>>) target(%dma_start3A_238 : memref<128x128xf32, #tpu.memory_space<vmem>>) offsets(%dma_start3A_241 : memref<128xi32, #tpu.memory_space<vmem>>) semaphore(%arg10 : memref<!tpu.dma_semaphore, #tpu.memory_space<semaphore_mem>>)
      %mul3A_245 = arith.constant 2 : i32
      %mul3A_246 = arith.muli %add3A_231, %mul3A_245 : i32
      %add3A_247 = arith.constant 1 : i32
      %add3A_248 = arith.addi %mul3A_246, %add3A_247 : i32
      %dma_start3A_249 = arith.constant 128 : i32
      %dma_start3A_250 = arith.constant 0 : i32
      %dma_start3A_251 = tpu.memref_slice %arg8[%dma_start3A_249, %dma_start3A_250] : memref<256x128xf32, #tpu.memory_space<vmem>> -> memref<128x128xf32, #tpu.memory_space<vmem>>
      %dma_start3A_252 = arith.constant 0 : i32
      %dma_start3A_253 = tpu.memref_slice %arg6[%add3A_248, %dma_start3A_252] : memref<200x128xi32, #tpu.memory_space<vmem>> -> memref<1x128xi32, #tpu.memory_space<vmem>>
      %dma_start3A_254 = tpu.memref_squeeze %dma_start3A_253 : memref<1x128xi32, #tpu.memory_space<vmem>> -> memref<128xi32, #tpu.memory_space<vmem>>
      %dma_start3A_255 = arith.constant 0 : i32
      %dma_start3A_256 = arith.constant 0 : i32
      %dma_start3A_257 = tpu.memref_slice %arg5[%dma_start3A_255, %dma_start3A_256] : memref<901x128xf32, #tpu.memory_space<vmem_shared>> -> memref<901x128xf32, #tpu.memory_space<vmem_shared>>
      tpu.enqueue_indirect_dma source(%dma_start3A_257 : memref<901x128xf32, #tpu.memory_space<vmem_shared>>) target(%dma_start3A_251 : memref<128x128xf32, #tpu.memory_space<vmem>>) offsets(%dma_start3A_254 : memref<128xi32, #tpu.memory_space<vmem>>) semaphore(%arg10 : memref<!tpu.dma_semaphore, #tpu.memory_space<semaphore_mem>>)
    }
    %scan3A_73 = arith.constant 49 : i32
    %dma_wait3A_74 = arith.constant 198 : i32
    %dma_wait3A_75 = arith.constant 0 : i32
    %dma_wait3A_76 = arith.constant 0 : i32
    %dma_wait3A_77 = tpu.memref_slice %arg8[%dma_wait3A_75, %dma_wait3A_76] : memref<256x128xf32, #tpu.memory_space<vmem>> -> memref<128x128xf32, #tpu.memory_space<vmem>>
    %dma_wait3A_78 = arith.constant 0 : i32
    %dma_wait3A_79 = tpu.memref_slice %arg6[%dma_wait3A_74, %dma_wait3A_78] : memref<200x128xi32, #tpu.memory_space<vmem>> -> memref<1x128xi32, #tpu.memory_space<vmem>>
    %dma_wait3A_80 = tpu.memref_squeeze %dma_wait3A_79 : memref<1x128xi32, #tpu.memory_space<vmem>> -> memref<128xi32, #tpu.memory_space<vmem>>
    %dma_wait3A_81 = arith.constant 0 : i32
    %dma_wait3A_82 = arith.constant 0 : i32
    %dma_wait3A_83 = tpu.memref_slice %arg5[%dma_wait3A_81, %dma_wait3A_82] : memref<901x128xf32, #tpu.memory_space<vmem_shared>> -> memref<901x128xf32, #tpu.memory_space<vmem_shared>>
    tpu.wait_indirect_dma semaphore(%arg10 : memref<!tpu.dma_semaphore, #tpu.memory_space<semaphore_mem>>) src(%dma_wait3A_83 : memref<901x128xf32, #tpu.memory_space<vmem_shared>>) dst(%dma_wait3A_77 : memref<128x128xf32, #tpu.memory_space<vmem>>)
    %dma_wait3A_84 = arith.constant 199 : i32
    %dma_wait3A_85 = arith.constant 128 : i32
    %dma_wait3A_86 = arith.constant 0 : i32
    %dma_wait3A_87 = tpu.memref_slice %arg8[%dma_wait3A_85, %dma_wait3A_86] : memref<256x128xf32, #tpu.memory_space<vmem>> -> memref<128x128xf32, #tpu.memory_space<vmem>>
    %dma_wait3A_88 = arith.constant 0 : i32
    %dma_wait3A_89 = tpu.memref_slice %arg6[%dma_wait3A_84, %dma_wait3A_88] : memref<200x128xi32, #tpu.memory_space<vmem>> -> memref<1x128xi32, #tpu.memory_space<vmem>>
    %dma_wait3A_90 = tpu.memref_squeeze %dma_wait3A_89 : memref<1x128xi32, #tpu.memory_space<vmem>> -> memref<128xi32, #tpu.memory_space<vmem>>
    %dma_wait3A_91 = arith.constant 0 : i32
    %dma_wait3A_92 = arith.constant 0 : i32
    %dma_wait3A_93 = tpu.memref_slice %arg5[%dma_wait3A_91, %dma_wait3A_92] : memref<901x128xf32, #tpu.memory_space<vmem_shared>> -> memref<901x128xf32, #tpu.memory_space<vmem_shared>>
    tpu.wait_indirect_dma semaphore(%arg10 : memref<!tpu.dma_semaphore, #tpu.memory_space<semaphore_mem>>) src(%dma_wait3A_93 : memref<901x128xf32, #tpu.memory_space<vmem_shared>>) dst(%dma_wait3A_87 : memref<128x128xf32, #tpu.memory_space<vmem>>)
    %add3A_94 = arith.constant 25344 : i32
    %add3A_95 = arith.addi %mul3A_4, %add3A_94 : i32
    %dma_start3A_96 = arith.constant 0 : i32
    %dma_start3A_97 = tpu.memref_slice %arg4[%add3A_95, %dma_start3A_96] : memref<819200x128xf32, #tpu.memory_space<hbm>> -> memref<256x128xf32, #tpu.memory_space<hbm>>
    %dma_start3A_98 = arith.constant 0 : i32
    %dma_start3A_99 = tpu.memref_slice %arg4[%add3A_95, %dma_start3A_98] : memref<819200x128xf32, #tpu.memory_space<hbm>> -> memref<256x128xf32, #tpu.memory_space<hbm>>
    tpu.enqueue_dma source(%arg8 : memref<256x128xf32, #tpu.memory_space<vmem>>) target(%dma_start3A_99 : memref<256x128xf32, #tpu.memory_space<hbm>>) target_semaphore(%arg12 : memref<!tpu.dma_semaphore, #tpu.memory_space<semaphore_mem>>)
    %add3A_100 = arith.constant 25088 : i32
    %add3A_101 = arith.addi %mul3A_4, %add3A_100 : i32
    %dma_wait3A_102 = arith.constant 0 : i32
    %dma_wait3A_103 = tpu.memref_slice %arg4[%add3A_101, %dma_wait3A_102] : memref<819200x128xf32, #tpu.memory_space<hbm>> -> memref<256x128xf32, #tpu.memory_space<hbm>>
    %dma_wait3A_104 = arith.constant 0 : i32
    %dma_wait3A_105 = tpu.memref_slice %arg4[%add3A_101, %dma_wait3A_104] : memref<819200x128xf32, #tpu.memory_space<hbm>> -> memref<256x128xf32, #tpu.memory_space<hbm>>
    tpu.wait_dma2 semaphore(%arg11 : memref<!tpu.dma_semaphore, #tpu.memory_space<semaphore_mem>>) src(%arg7 : memref<256x128xf32, #tpu.memory_space<vmem>>) dst(%dma_wait3A_105 : memref<256x128xf32, #tpu.memory_space<hbm>>)
    %add3A_106 = arith.constant 25344 : i32
    %add3A_107 = arith.addi %mul3A_4, %add3A_106 : i32
    %dma_wait3A_108 = arith.constant 0 : i32
    %dma_wait3A_109 = tpu.memref_slice %arg4[%add3A_107, %dma_wait3A_108] : memref<819200x128xf32, #tpu.memory_space<hbm>> -> memref<256x128xf32, #tpu.memory_space<hbm>>
    %dma_wait3A_110 = arith.constant 0 : i32
    %dma_wait3A_111 = tpu.memref_slice %arg4[%add3A_107, %dma_wait3A_110] : memref<819200x128xf32, #tpu.memory_space<hbm>> -> memref<256x128xf32, #tpu.memory_space<hbm>>
    tpu.wait_dma2 semaphore(%arg12 : memref<!tpu.dma_semaphore, #tpu.memory_space<semaphore_mem>>) src(%arg8 : memref<256x128xf32, #tpu.memory_space<vmem>>) dst(%dma_wait3A_111 : memref<256x128xf32, #tpu.memory_space<hbm>>)
    return
  }
}

</mosaic_0001>

<sc_bundles>
// kernel: kernel.3.cloned.1.call-start
scs
__scs_entry_jumppad:
0x0: {  	(pc) =	sbr.rel $0x88, $3  }
0x1: {  	(tag) =	ssettag $0x0;
	lr =	simm.s32 $0x1  }
0x2: {  	[smem:$0x3F95] =	sst lr;
	_ =	strace $0xD0000000  }
0x3: {  	_ = 	snop  }
0x4: {  	_ = 	snop  }
0x5: {  	_ = 	snop  }
0x6: {  	_ = 	snop  }
0x7: {  	_ = 	snop  }
__scs_overlays_trampoline_lowered:
0x8: {  	[smem:$0x3FA4] =	sst s0  }
0x9: {  	[smem:$0x3FA5] =	sst s1  }
0xa: {  	[smem:$0x3FA6] =	sst s2  }
0xb: {  	[smem:$0x3FA7] =	sst s3  }
0xc: {  	[smem:$0x3FA8] =	sst s4  }
0xd: {  	[smem:$0x3FA9] =	sst s5  }
0xe: {  	[smem:$0x3FAA] =	sst s6  }
0xf: {  	[smem:$0x3FAB] =	sst s7  }
0x10: {  	[smem:$0x3FAC] =	sst s8  }
0x11: {  	[smem:$0x3FAD] =	sst s9;
	s0 =	simm.s32 @!p0 $0x0  }
0x12: {  	s1 =	sld [smem:$0x3F93];
	s0 =	simm.s32 @p0 $0x1  }
0x13: {  	[smem:$0x3FAE] =	sst s0;
	s0 =	simm.s32 @!p1 $0x0  }
0x14: {  	s2 =	sld [smem:$0x3F92];
	s0 =	simm.s32 @p1 $0x1  }
0x15: {  	[smem:$0x3FAF] =	sst s0;
	s0 =	simm.s32 @!p2 $0x0  }
0x16: {  	s3 =	sld [smem:$0x3FDB];
	s0 =	simm.s32 @p2 $0x1  }
0x17: {  	s4 =	simm.s32 $0x1BF5;
	[smem:$0x3FB1] =	sst s0  }
0x18: {  	s0 =	sld [smem:$0x3F94];
	_ =	swait.ge [sflag:s4], $0x0  }
0x19: {  	s7 =	sld [smem:$0x3F95]  }
0x1a: {  	s8 =	sadd.s32 $0xFFFFE003, lr  }
0x1b: {  	s9 =	sadd.s32 $0xFFFFFEF7, lr;
	s5 =	simm.s32 $0xFFFFFFFF;
	p2 =	slt.u32 s8, $0xFFFFF086  }
0x1c: {  	p1 =	slt.u32 s9, $0xF7A;
	s5 =	simm.s32 @!p2 $0x0  }
0x1d: {  	s5 =	simm.s32 @p1 $0x1;
	p0 =	seq.s32 s7, s2  }
0x1e: {  	s7 =	smul.u32 @!p0 $0xF7A, s2;
	p2 =	seq.s32 @!p0 s5, $0x0  }
0x1f: {  	s9 =	smul.u32 $0xF7A, s1;
	s8 =	simm.s32 @!p0 $0x1BF5;
	p2 =	por !p2, p0  }
0x20: {  	[sflag:s8] =	ssyncset.s32 @!p0 $0xFFFFF086;
	s6 =	sadd.s32 @!p0 s3, s7;
	s7 =	simm.s32 @!p0 $0x108  }
0x21: {  	s3 =	sadd.s32 s3, s9;
	s6 =	sadd.s32 @!p0 $0x88, s6;
	s7 =	simm.s32 @p2 $0x1082  }
0x22: {  	[simem:s7], [sflag:s8] =	dma.local @!p0 [hbm:s6], $0xF7A  }
0x23: {  	s9 =	sor.u32 $0xD0000000, s2;
	s6 =	simm.s32 $0x108;
	_ =	swait.ge @!p0 [sflag:s8], $0x0  }
0x24: {  	s3 =	sadd.s32 $0x88, s3;
	s6 =	simm.s32 @!p1 $0x1082;
	[sflag:s4] =	ssyncset.s32 $0xFFFFF086  }
0x25: {  	[simem:s6], [sflag:s4] =	dma.local [hbm:s3], $0xF7A  }
0x26: {  	[smem:$0x3F95] =	sst s1;
	(tag) =	ssettag s2;
	_ =	strace s9  }
0x27: {  	s1 =	sld [smem:$0x3FA5]  }
0x28: {  	s2 =	sld [smem:$0x3FA6]  }
0x29: {  	s4 =	sld [smem:$0x3FA8]  }
0x2a: {  	p0 =	seq.s32 s5, $0x0;
	s5 =	sld [smem:$0x3FA9]  }
0x2b: {  	s6 =	sld [smem:$0x3FAA]  }
0x2c: {  	s7 =	sld [smem:$0x3FAB]  }
0x2d: {  	s3 =	simm.s32 $0x108;
	s8 =	sld [smem:$0x3FAC]  }
0x2e: {  	s3 =	simm.s32 @!p0 $0x1082;
	s9 =	sld [smem:$0x3FAD]  }
0x2f: {  	lr =	sadd.s32 s0, s3;
	s0 =	sld [smem:$0x3FA4]  }
0x30: {  	s3 =	sld [smem:$0x3FA7]  }
0x31: {  	[smem:$0x3FB0] =	sst s10  }
0x32: {  	s10 =	sld [smem:$0x3FAE];
	_ =	sdelay $0x3  }
0x33: {  	p0 =	seq.s32 s10, $0x1;
	s10 =	sld [smem:$0x3FB0];
	_ =	sdelay $0x3  }
0x34: {  	[smem:$0x3FB0] =	sst s10  }
0x35: {  	s10 =	sld [smem:$0x3FAF];
	_ =	sdelay $0x3  }
0x36: {  	p1 =	seq.s32 s10, $0x1;
	s10 =	sld [smem:$0x3FB0];
	_ =	sdelay $0x3  }
0x37: {  	[smem:$0x3FB0] =	sst s10  }
0x38: {  	s10 =	sld [smem:$0x3FB1]  }
0x39: {  	_ = 	snop;
	(pc) =	sbr.ind lr, $3  }
0x3a: {  	_ = 	snop  }
0x3b: {  	_ = 	snop  }
0x3c: {  	p2 =	seq.s32 s10, $0x1;
	s10 =	sld [smem:$0x3FB0]  }
0x3d: {  	_ =	shalt  }
0x3e: {  	_ =	shalt  }
0x3f: {  	_ =	shalt  }
0x40: {  	_ =	shalt  }
0x41: {  	_ =	shalt  }
0x42: {  	_ =	shalt  }
0x43: {  	_ =	shalt  }
0x44: {  	_ =	shalt  }
0x45: {  	_ =	shalt  }
0x46: {  	_ =	shalt  }
0x47: {  	_ =	shalt  }
0x48: {  	_ =	shalt  }
0x49: {  	_ =	shalt  }
0x4a: {  	_ =	shalt  }
0x4b: {  	_ =	shalt  }
0x4c: {  	_ =	shalt  }
0x4d: {  	_ =	shalt  }
0x4e: {  	_ =	shalt  }
0x4f: {  	_ =	shalt  }
0x50: {  	_ =	shalt  }
0x51: {  	_ =	shalt  }
0x52: {  	_ =	shalt  }
0x53: {  	_ =	shalt  }
0x54: {  	_ =	shalt  }
0x55: {  	_ =	shalt  }
0x56: {  	_ =	shalt  }
0x57: {  	_ =	shalt  }
0x58: {  	_ =	shalt  }
0x59: {  	_ =	shalt  }
0x5a: {  	_ =	shalt  }
0x5b: {  	_ =	shalt  }
0x5c: {  	_ =	shalt  }
0x5d: {  	_ =	shalt  }
0x5e: {  	_ =	shalt  }
0x5f: {  	_ =	shalt  }
0x60: {  	_ =	shalt  }
0x61: {  	_ =	shalt  }
0x62: {  	_ =	shalt  }
0x63: {  	_ =	shalt  }
0x64: {  	_ =	shalt  }
0x65: {  	_ =	shalt  }
0x66: {  	_ =	shalt  }
0x67: {  	_ =	shalt  }
0x68: {  	_ =	shalt  }
0x69: {  	_ =	shalt  }
0x6a: {  	_ =	shalt  }
0x6b: {  	_ =	shalt  }
0x6c: {  	_ =	shalt  }
0x6d: {  	_ =	shalt  }
0x6e: {  	_ =	shalt  }
0x6f: {  	_ =	shalt  }
0x70: {  	_ =	shalt  }
0x71: {  	_ =	shalt  }
0x72: {  	_ =	shalt  }
0x73: {  	_ =	shalt  }
0x74: {  	_ =	shalt  }
0x75: {  	_ =	shalt  }
0x76: {  	_ =	shalt  }
0x77: {  	_ =	shalt  }
0x78: {  	_ =	shalt  }
0x79: {  	_ =	shalt  }
0x7a: {  	_ =	shalt  }
0x7b: {  	_ =	shalt  }
0x7c: {  	_ =	shalt  }
0x7d: {  	_ =	shalt  }
0x7e: {  	_ =	shalt  }
0x7f: {  	_ =	shalt  }
0x80: {  	_ =	shalt  }
0x81: {  	_ =	shalt  }
0x82: {  	_ =	shalt  }
0x83: {  	_ =	shalt  }
0x84: {  	_ =	shalt  }
0x85: {  	_ =	shalt  }
0x86: {  	_ =	shalt  }
0x87: {  	_ =	shalt  }
.Lfunc_end0:
.L_simem_size_0:
called_computation_lowered:
.L_overlay_start_0:
0x88: {  	s2 =	sld [smem:$0x3FD9]  }
0x89: {  	s3 =	sld [smem:$0x3FFE];
	_ =	sdelay $0x1  }
0x8a: {  	s1 =	srdreg.scid  }
0x8b: {  	s0 =	sand.u32 $0x1, s1  }
0x8c: {  	s17 =	sshll.u32 s0, $0xA;
	s2 =	sadd.s32 s3, s2  }
0x8d: {  	s2 =	sadd.s32 s2, s17  }
0x8e: {  	[smem:$0x3FBC] =	sst s2  }
0x8f: {  	_ = 	snop  }
0x90: {  	s2 =	sld [smem:$0x3FD0];
	(tm) =	ssettm $0x1  }
0x91: {  	s18 =	sld [smem:$0x3FFB];
	_ =	sdelay $0x3  }
0x92: {  	_ =	strace s18  }
0x93: {  	s3 =	sld [smem:$0x3FFC];
	_ =	sdelay $0x3  }
0x94: {  	_ =	strace s3  }
0x95: {  	s3 =	sld [smem:$0x3FFD];
	_ =	sdelay $0x3  }
0x96: {  	_ =	strace s3  }
0x97: {  	_ =	strace $0x8FFFFFFF  }
0x98: {  	s19 =	sld [smem:$0x3FDB];
	_ =	sdelay $0x1  }
0x99: {  	s4 =	simm.s32 $_scs_section_size  }
0x9a: {  	s5 =	simm.s32 $_size__tile_overlayer_lowered;
	s6 =	simm.s32 $_tile_overlayer_lowered  }
0x9b: {  	s22 =	simm.s32 $0x1BFF;
	s21 =	sshll.u32 s6, $0x1;
	s3 =	sadd.s32 s4, s19  }
0x9c: {  	s7 =	simm.s32 $0x0;
	s20 =	sshll.u32 s5, $0x1;
	s5 =	sadd.s32 s21, s3  }
0x9d: {  	[timem:s7], [sflag:s22] =	dma.local [hbm:s5], s20  }
0x9e: {  	_ =	swait.ge [sflag:s22], s20  }
0x9f: {  	s4 =	ssub.s32 $0x0, s20;
	[sflag:s22] =	ssyncset.done $0x0  }
0xa0: {  	[sflag:s22] =	ssyncadd.s32 s4;
	_ =	sdelay $0x1  }
0xa1: {  	s23 =	simm.s32 $0x1B8B  }
0xa2: {  	_ =	swait.ge [sflag:s23], $0x1  }
0xa3: {  	[sflag:s23] =	ssyncset.done $0x0  }
0xa4: {  	s25 =	simm.s32 $0x1B8E;
	s24 =	sld [smem:$0x3FFE];
	[sflag:s23] =	ssyncadd.s32 $0xFFFFFFFF  }
0xa5: {  	s26 =	simm.s32 $execute0_lowered;
	[smem:$0x3FD2] =	sst s25  }
0xa6: {  	s5 =	sshll.u32 s26, $0x1;
	_ =	strace $0x80000046;
	[dreg:$0x1] =	wrdreg $0xFFFFFFFF  }
0xa7: {  	s28 =	simm.s32 $_size_execute0_lowered;
	s3 =	sadd.s32 s3, s5;
	[dreg:$0x0] =	wrdreg $0x0  }
0xa8: {  	s5 =	sshll.u32 s28, $0x1;
	[dreg:$0x2] =	wrdreg s3  }
0xa9: {  	[dreg:$0x3] =	wrdreg s5  }
0xaa: {  	[dreg:$0x4] =	wrdreg $0xC0  }
0xab: {  	_ =	task [dreg:s7], $0x5FFFF  }
0xac: {  	[dreg:$0x1] =	wrdreg $0xFFFFFFFF  }
0xad: {  	[dreg:$0x0] =	wrdreg $0x60  }
0xae: {  	[dreg:$0x2] =	wrdreg s24  }
0xaf: {  	[dreg:$0x3] =	wrdreg s2  }
0xb0: {  	[dreg:$0x4] =	wrdreg $0x0  }
0xb1: {  	[dreg:$0x5] =	wrdreg $0x9  }
0xb2: {  	_ =	task.clear_ibuf [dreg:s7], $0x6FFFF;
	_ =	strace $0x90000046  }
0xb3: {  	s29 =	simm.s32 $0x9;
	_ =	strace $0x80000048  }
0xb4: {  	_ =	swait.ge [sflag:s29], $0x1  }
0xb5: {  	[sflag:s29] =	ssyncadd.s32 $0xFFFFFFFF  }
0xb6: {  	_ =	strace $0x90000048  }
0xb7: {  	_ =	sfence  }
0xb8: {  	s30 =	sld [smem:$0x0];
	_ =	sdelay $0x2  }
0xb9: {  	s31 =	sshll.u32 s1, $0xD;
	s1 =	sshrl.u32 s1, $0x2  }
0xba: {  	s3 =	sand.u32 $0x4000, s31;
	s1 =	sadd.s32 s1, s30  }
0xbb: {  	s0 =	sor.u32 s3, s0;
	s1 =	sshll.u32 s1, $0x11  }
0xbc: {  	s0 =	sor.u32 s1, s0  }
0xbd: {  	s0 =	sadd.s32 $0x8F2B, s0  }
0xbe: {  	[sflag:s0] =	ssyncadd.remote.s32 $0x1  }
0xbf: {  	_ =	sfence.sel $0xFFFF  }
0xc0: {  	[dreg:$0x0] =	wrdreg $0xFFFFFFFF;
	(pc) =	sbr.abs _section_cstart, $3  }
0xc1: {  	[dreg:$0x1] =	wrdreg $0xFFFFFFFF  }
0xc2: {  	_ =	task.clear_ibuf [dreg:s7], $0x2FFFF;
	_ =	strace $0x9FFFFFFF  }
0xc3: {  	(tm) =	ssettm $0x7FFFFFFF  }
tec
execute0_lowered:
.L_overlay_start_1:
0x0: {  	(tag) =	ssettag $0x1  }
0x1: {  	s4 =	rddreg [dreg:$0x0]  }
0x2: {  	s9 =	rddreg [dreg:$0x1];
	s0 =	srdreg.scid  }
0x3: {  	s8 =	stileid.u32;
	s1 =	rddreg [dreg:$0x2];
	s2 =	simm.s32 $0x0  }
0x4: {  	s15 =	simm.s32 $0x1CA8;
	s16 =	simm.s32 $0xC028;
	s17 =	simm.s32 $0x1  }
0x5: {  	s18 =	simm.s32 $0x1D28;
	s19 =	simm.s32 $0x10028;
	s20 =	simm.s32 $0x1DA8  }
0x6: {  	s21 =	simm.s32 $0x14028;
	s22 =	simm.s32 $0x2;
	s23 =	simm.s32 $0x3  }
0x7: {  	s24 =	simm.s32 $0x4;
	s25 =	simm.s32 $0x0;
	s26 =	smul.u32 $0x640000, s8  }
0x8: {  	s7 =	sand.u32 $0x1, s0;
	s0 =	rddreg [dreg:$0x3];
	s29 =	smul.u32 $0xC8000, s8  }
0x9: {  	s3 =	sshll.u32 s8, $0x1;
	[smem:$0x7FF] =	sst s2;
	s13 =	smul.u32 $0x320000, s7  }
0xa: {  	p0 =	sne.s32 s8, $0x0;
	s5 =	sor.u32 s7, s3;
	s14 =	smul.u32 $0x64000, s7  }
0xb: {  	_ =	strace $0x80000047;
	s10 =	ssub.s32 $0x2, s7;
	s6 =	smul.u32 $0xC80, s5  }
0xc: {  	s3 =	sadd.s32 $0x1AA00, s4;
	s11 =	smul.u32 $0x64000, s5;
	s12 =	sshrl.u32 s10, $0x1  }
0xd: {  	s5 =	smul.u32 $0x320000, s5;
	s30 =	sadd.s32 s29, s9;
	s10 =	ssub.s32 s10, s12  }
0xe: {  	s12 =	sadd.s32 s13, s26;
	s13 =	simm.s32 $0x80;
	s4 =	sadd.s32 s6, s4  }
0xf: {  	s28 =	sshrl.u32 s5, $0x3;
	s5 =	sadd.s32 s9, s11;
	s7 =	smax.u32 s10, $0x1  }
0x10: {  	s31 =	sor.u32 $0x10000, s12;
	s10 =	sadd.s32 s14, s30;
	s12 =	simm.s32 $0x5  }
0x11: {  	s14 =	simm.s32 $0x8028;
	s4 =	sadd.s32 $0x1A00, s4;
	s6 =	sadd.s32 s9, s28  }
0x12: {  	s11 =	sshrl.u32 s31, $0x3;
	s8 =	sadd.s32 $0x1000, s10;
	s10 =	sshrl.u32 @!p0 s1, $0x3  }
0x13: {  	s6 =	sadd.s32 $0x63000, s6;
	s9 =	sadd.s32 s11, s9;
	s11 =	simm.s32 $0x1C28  }
.LBB2_1:
0x14: {  	s26 =	simm.s32 @!p0 $0x1C05  }
0x15: {  	[spmem:s10], [sflag:s26] =	dma.local @!p0 [hbm:s3], $0x3850  }
0x16: {  	s26 =	simm.s32 @!p0 $0x5  }
0x17: {  	_ =	swait.ge @!p0 [sflag:s26], $0x3850  }
0x18: {  	[sflag:s26] =	ssyncset.done @!p0 $0x0  }
0x19: {  	[sflag:s26] =	ssyncadd.s32 @!p0 $0xFFFFC7B0  }
0x1a: {  	[tilespmem:s11], [sflag:$0x5] =	stream.linear.gather [hbm4b:s4+s2], $0x6400, $0x38;
	[tilespmem:$0x18028] =	vst v63  }
0x1b: {  	_ =	swait.ge [sflag:s12], $0x6400  }
0x1c: {  	[sflag:s12] =	ssyncset.done $0x0  }
0x1d: {  	[sflag:s12] =	ssyncadd.s32 $0xFFFF9C00  }
0x1e: {  	[bflag:$0x0] =	sbarrier.arrive $0xFFFF  }
0x1f: {  	[tilespmem:s14], [sflag:$0x1] =	stream.indirect.gather [spmem:s1], $0x80, s11, s13, $0xb8;
	[tilespmem:$0x18028] =	vst v63  }
0x20: {  	_ = 	snop  }
0x21: {  	[tilespmem:s16], [sflag:$0x1] =	stream.indirect.gather [spmem:s1], $0x80, s15, s13, $0xb8;
	[tilespmem:$0x18028] =	vst v63  }
0x22: {  	_ =	swait.ge [sflag:s17], $0x4000  }
0x23: {  	[sflag:s17] =	ssyncset.done $0x0  }
0x24: {  	[sflag:s17] =	ssyncadd.s32 $0xFFFFC000  }
0x25: {  	_ =	swait.ge [sflag:s17], $0x4000  }
0x26: {  	[sflag:s17] =	ssyncset.done $0x0  }
0x27: {  	[sflag:s17] =	ssyncadd.s32 $0xFFFFC000  }
0x28: {  	[hbm4b:s5+s2] =	stream.linear.scatter [tilespmem:s14], [sflag:$0x3], $0x8000, $0x38;
	[tilespmem:$0x18028] =	vst v63  }
0x29: {  	_ = 	snop  }
0x2a: {  	[tilespmem:s19], [sflag:$0x2] =	stream.indirect.gather [spmem:s1], $0x80, s18, s13, $0xb8;
	[tilespmem:$0x18028] =	vst v63  }
0x2b: {  	_ = 	snop  }
0x2c: {  	[tilespmem:s21], [sflag:$0x2] =	stream.indirect.gather [spmem:s1], $0x80, s20, s13, $0xb8;
	[tilespmem:$0x18028] =	vst v63  }
0x2d: {  	_ =	swait.ge [sflag:s22], $0x4000  }
0x2e: {  	[sflag:s22] =	ssyncset.done $0x0  }
0x2f: {  	[sflag:s22] =	ssyncadd.s32 $0xFFFFC000  }
0x30: {  	_ =	swait.ge [sflag:s22], $0x4000  }
0x31: {  	[sflag:s22] =	ssyncset.done $0x0  }
0x32: {  	[sflag:s22] =	ssyncadd.s32 $0xFFFFC000  }
0x33: {  	[hbm4b:s8+s2] =	stream.linear.scatter [tilespmem:s19], [sflag:$0x4], $0x8000, $0x38;
	[tilespmem:$0x18028] =	vst v63  }
0x34: {  	_ =	swait.ge [sflag:s23], $0x8000  }
0x35: {  	[sflag:s23] =	ssyncset.done $0x0  }
0x36: {  	s31 =	simm.s32 $0x1E28;
	[sflag:s23] =	ssyncadd.s32 $0xFFFF8000  }
0x37: {  	[tilespmem:s14], [sflag:$0x1] =	stream.indirect.gather [spmem:s1], $0x80, s31, s13, $0xb8;
	[tilespmem:$0x18028] =	vst v63  }
0x38: {  	s31 =	simm.s32 $0x1EA8  }
0x39: {  	[tilespmem:s16], [sflag:$0x1] =	stream.indirect.gather [spmem:s1], $0x80, s31, s13, $0xb8;
	[tilespmem:$0x18028] =	vst v63  }
0x3a: {  	_ =	swait.ge [sflag:s17], $0x4000  }
0x3b: {  	[sflag:s17] =	ssyncset.done $0x0  }
0x3c: {  	[sflag:s17] =	ssyncadd.s32 $0xFFFFC000  }
0x3d: {  	_ =	swait.ge [sflag:s17], $0x4000  }
0x3e: {  	[sflag:s17] =	ssyncset.done $0x0  }
0x3f: {  	[sflag:s17] =	ssyncadd.s32 $0xFFFFC000  }
0x40: {  	[hbm4b:s9+s2] =	stream.linear.scatter [tilespmem:s14], [sflag:$0x3], $0x8000, $0x38;
	[tilespmem:$0x18028] =	vst v63  }
0x41: {  	s30 =	simm.s32 $0x1FA8;
	_ =	swait.ge [sflag:s24], $0x8000  }
0x42: {  	s28 =	sadd.s32 $0x2000, s8;
	s29 =	sadd.s32 $0x2000, s9;
	[sflag:s24] =	ssyncset.done $0x0  }
0x43: {  	s26 =	simm.s32 $0x800;
	s31 =	simm.s32 $0x1F28;
	[sflag:s24] =	ssyncadd.s32 $0xFFFF8000  }
0x44: {  	[tilespmem:s19], [sflag:$0x2] =	stream.indirect.gather [spmem:s1], $0x80, s31, s13, $0xb8;
	[tilespmem:$0x18028] =	vst v63  }
.LBB2_2:
0x45: {  	[tilespmem:s21], [sflag:$0x2] =	stream.indirect.gather [spmem:s1], $0x80, s30, s13, $0xb8;
	[tilespmem:$0x18028] =	vst v63  }
0x46: {  	s30 =	smov.u32 s26  }
0x47: {  	p1 =	sne.s32 s26, $0x18000;
	s26 =	sadd.s32 $0x800, s26;
	_ =	swait.ge [sflag:s22], $0x4000  }
0x48: {  	[sflag:s22] =	ssyncset.done $0x0  }
0x49: {  	[sflag:s22] =	ssyncadd.s32 $0xFFFFC000  }
0x4a: {  	_ =	swait.ge [sflag:s22], $0x4000  }
0x4b: {  	[sflag:s22] =	ssyncset.done $0x0  }
0x4c: {  	[sflag:s22] =	ssyncadd.s32 $0xFFFFC000  }
0x4d: {  	[hbm4b:s28+s2] =	stream.linear.scatter [tilespmem:s19], [sflag:$0x4], $0x8000, $0x38;
	[tilespmem:$0x18028] =	vst v63  }
0x4e: {  	_ =	swait.ge [sflag:s23], $0x8000  }
0x4f: {  	s30 =	sshra.s32 s30, $0x2;
	[sflag:s23] =	ssyncset.done $0x0  }
0x50: {  	s31 =	sadd.s32 $0x1E28, s30;
	[sflag:s23] =	ssyncadd.s32 $0xFFFF8000  }
0x51: {  	[tilespmem:s14], [sflag:$0x1] =	stream.indirect.gather [spmem:s1], $0x80, s31, s13, $0xb8;
	[tilespmem:$0x18028] =	vst v63  }
0x52: {  	s31 =	sadd.s32 $0x1EA8, s30  }
0x53: {  	[tilespmem:s16], [sflag:$0x1] =	stream.indirect.gather [spmem:s1], $0x80, s31, s13, $0xb8;
	[tilespmem:$0x18028] =	vst v63  }
0x54: {  	_ =	swait.ge [sflag:s17], $0x4000  }
0x55: {  	[sflag:s17] =	ssyncset.done $0x0  }
0x56: {  	[sflag:s17] =	ssyncadd.s32 $0xFFFFC000  }
0x57: {  	_ =	swait.ge [sflag:s17], $0x4000  }
0x58: {  	[sflag:s17] =	ssyncset.done $0x0  }
0x59: {  	[sflag:s17] =	ssyncadd.s32 $0xFFFFC000  }
0x5a: {  	[hbm4b:s29+s2] =	stream.linear.scatter [tilespmem:s14], [sflag:$0x3], $0x8000, $0x38;
	[tilespmem:$0x18028] =	vst v63  }
.Ltmp0:
0x5b: {  	_ =	swait.ge [sflag:s24], $0x8000;
	(pc) =	sbr.rel @p1 .LBB2_2-.Ltmp0, $4  }
0x5c: {  	[sflag:s24] =	ssyncset.done $0x0  }
0x5d: {  	s31 =	sadd.s32 $0x1F28, s30;
	[sflag:s24] =	ssyncadd.s32 $0xFFFF8000  }
0x5e: {  	[tilespmem:s19], [sflag:$0x2] =	stream.indirect.gather [spmem:s1], $0x80, s31, s13, $0xb8;
	[tilespmem:$0x18028] =	vst v63  }
0x5f: {  	s28 =	sadd.s32 $0x2000, s28;
	s30 =	sadd.s32 $0x1FA8, s30;
	s29 =	sadd.s32 $0x2000, s29  }
0x60: {  	[tilespmem:s21], [sflag:$0x2] =	stream.indirect.gather [spmem:s1], $0x80, s30, s13, $0xb8;
	[tilespmem:$0x18028] =	vst v63  }
0x61: {  	_ =	swait.ge [sflag:s22], $0x4000  }
0x62: {  	[sflag:s22] =	ssyncset.done $0x0  }
0x63: {  	[sflag:s22] =	ssyncadd.s32 $0xFFFFC000  }
0x64: {  	_ =	swait.ge [sflag:s22], $0x4000  }
0x65: {  	[sflag:s22] =	ssyncset.done $0x0  }
0x66: {  	s25 =	sadd.s32 $0x1, s25;
	[sflag:s22] =	ssyncadd.s32 $0xFFFFC000  }
0x67: {  	[hbm4b:s6+s2] =	stream.linear.scatter [tilespmem:s19], [sflag:$0x4], $0x8000, $0x38;
	[tilespmem:$0x18028] =	vst v63  }
0x68: {  	p1 =	sne.s32 s25, s7;
	_ =	swait.ge [sflag:s23], $0x8000  }
.Ltmp1:
0x69: {  	[sflag:s23] =	ssyncset.done $0x0;
	(pc) =	sbr.rel @p1 .LBB2_1-.Ltmp1, $4  }
0x6a: {  	[sflag:s23] =	ssyncadd.s32 $0xFFFF8000  }
0x6b: {  	_ =	swait.ge [sflag:s24], $0x8000  }
0x6c: {  	[sflag:s24] =	ssyncset.done $0x0  }
0x6d: {  	[sflag:s24] =	ssyncadd.s32 $0xFFFF8000  }
0x6e: {  	_ =	sfence.sel $0x180000  }
0x6f: {  	[bflag:$0x0] =	sbarrier.arrive $0xFFFF  }
0x70: {  	_ =	strace $0x90000047  }
0x71: {  	s0 =	sadd.s32 @!p0 $0x100000, s0;
	[bflag:$0x2] =	sbarrier.arrive $0xFFFF  }
0x72: {  	[sflag:s0] =	ssyncadd.tile.s32 @!p0 $0x1;
	_ =	shalt  }
.Lfunc_end2:
_tile_overlayer_lowered:
.L_overlay_start_2:
0x73: {  	(tag) =	ssettag $0x2  }
0x74: {  	s0 =	rddreg [dreg:$0x0];
	s2 =	stileid.u32  }
0x75: {  	s1 =	rddreg [dreg:$0x1];
	p0 =	sne.s32 s2, $0x0  }
0x76: {  	s3 =	rddreg [dreg:$0x2];
	[bflag:$0x3] =	sbarrier.arrive $0xFFFF;
	s2 =	simm.s32 @!p0 $0x1C05  }
0x77: {  	[timem:s3], [sflag:s2] =	dma.local @!p0 [hbm:s0], s1  }
0x78: {  	s0 =	simm.s32 @!p0 $0x5  }
0x79: {  	_ =	swait.ge @!p0 [sflag:s0], s1  }
0x7a: {  	s1 =	ssub.s32 @!p0 $0x0, s1;
	[sflag:s0] =	ssyncset.done @!p0 $0x0  }
0x7b: {  	[sflag:s0] =	ssyncadd.s32 @!p0 s1  }
0x7c: {  	[bflag:$0x3] =	sbarrier.arrive $0xFFFF  }
0x7d: {  	_ =	shalt  }

</sc_bundles>
